<compile_context>
chip_gen: v7x
topology: tpu7x:2x2x1
jax: 0.10.2.dev20260603
libtpu: 0.0.44.dev20260713+nightly
codegen_flags: <defaults>
</compile_context>

<pallas_src>
import dataclasses
import functools

import jax
import jax.numpy as jnp
from jax import lax
from jax.experimental import pallas as pl
from jax.experimental.pallas import tpu as pltpu
from jax.experimental.pallas import tpu_sc as plsc

_LANES = 16


def _sc_compiler_params():
    cp = pltpu.CompilerParams()
    if "needs_layout_passes" in pltpu.CompilerParams.__dataclass_fields__:
        cp = dataclasses.replace(cp, needs_layout_passes=False)
    return cp


def _gather_coeffs_sc(t, tab_a, tab_s):
    B = t.shape[0]
    T = tab_a.shape[0]
    mesh = plsc.ScalarSubcoreMesh(axis_name="c", num_cores=2)

    @functools.partial(
        pl.kernel,
        out_type=(
            jax.ShapeDtypeStruct((B,), jnp.float32),
            jax.ShapeDtypeStruct((B,), jnp.float32),
        ),
        mesh=mesh,
        scratch_types=[
            pltpu.SMEM((B,), jnp.int32),
            pltpu.SMEM((T,), jnp.float32),
            pltpu.SMEM((B,), jnp.float32),
            pltpu.SemaphoreType.DMA,
            pltpu.SemaphoreType.DMA,
        ],
        compiler_params=_sc_compiler_params(),
    )
    def gather_kernel(t_hbm, ta_hbm, ts_hbm, oa_hbm, os_hbm,
                      idx_s, tab_s_ref, out_s, sem0, sem1):
        cid = lax.axis_index("c")
        c0 = pltpu.async_copy(t_hbm, idx_s, sem0)

        @pl.when(cid == 0)
        def _():
            pltpu.async_copy(ta_hbm, tab_s_ref, sem1).wait()

        @pl.when(cid == 1)
        def _():
            pltpu.async_copy(ts_hbm, tab_s_ref, sem1).wait()

        c0.wait()

        @pl.loop(0, B)
        def _(i):
            out_s[i] = tab_s_ref[idx_s[i]]

        @pl.when(cid == 0)
        def _():
            pltpu.async_copy(out_s, oa_hbm, sem1).wait()

        @pl.when(cid == 1)
        def _():
            pltpu.async_copy(out_s, os_hbm, sem1).wait()

    return gather_kernel(t, tab_a, tab_s)


def _combine_body(a_ref, s_ref, x_ref, n_ref, o_ref):
    o_ref[...] = a_ref[...] * x_ref[...] + s_ref[...] * n_ref[...]


def _combine_tc(xt, nt, a, s, h_block):
    C, H, W, B = xt.shape
    HB = h_block
    blk = (C, HB, W, B)
    idx = lambda j: (0, j, 0, 0)
    cidx = lambda j: (0,)
    return pl.pallas_call(
        _combine_body,
        grid=(H // HB,),
        in_specs=[
            pl.BlockSpec((B,), cidx),
            pl.BlockSpec((B,), cidx),
            pl.BlockSpec(blk, idx),
            pl.BlockSpec(blk, idx),
        ],
        out_specs=pl.BlockSpec(blk, idx),
        out_shape=jax.ShapeDtypeStruct((C, H, W, B), jnp.float32),
        compiler_params=pltpu.CompilerParams(
            dimension_semantics=("arbitrary",),
        ),
    )(a, s, xt, nt)


def kernel(x0, t, noise, sqrt_alphas_bar, sqrt_one_minus_alphas_bar):
    a, s = _gather_coeffs_sc(t, sqrt_alphas_bar, sqrt_one_minus_alphas_bar)
    xt = jnp.transpose(x0, (1, 2, 3, 0))
    nt = jnp.transpose(noise, (1, 2, 3, 0))
    out_t = _combine_tc(xt, nt, a, s, h_block=16)
    return jnp.transpose(out_t, (3, 0, 1, 2))

# --- scband reference (transcript-rebuilt; emitter-appended) ---
"""Pipeline reference for scband-diffusion-schedule-45784351375938 (READ-ONLY COPY).

The authoritative reference and input builder live on the scoring server;
editing this copy changes nothing except your own understanding.
"""

import math
import jax, jax.numpy as jnp
import numpy as np

T = 1000
B, C, H, W = 256, 4, 64, 64

def _cosine_beta_schedule(T, s=0.008):
    steps = np.arange(T + 1, dtype=np.float64)
    f = np.cos((steps / T + s) / (1.0 + s) * math.pi / 2.0) ** 2
    alphas_bar = f / f[0]
    betas = 1.0 - alphas_bar[1:] / alphas_bar[:-1]
    return np.clip(betas, 0.0, 0.999).astype(np.float32)

def setup_inputs(seed: int = 0) -> dict:
    key = jax.random.key(seed)
    k1, k2, k3 = jax.random.split(key, 3)
    x0 = jax.random.normal(k1, (B, C, H, W), dtype=jnp.float32)
    noise = jax.random.normal(k2, (B, C, H, W), dtype=jnp.float32)
    t = jax.random.randint(k3, (B,), 0, T, dtype=jnp.int32)
    # schedule buffers (registered buffers in the torch module), sized per init_kwargs T=1000
    betas = _cosine_beta_schedule(T).astype(np.float64)
    alphas = 1.0 - betas
    alphas_bar = np.cumprod(alphas, axis=0)
    sqrt_alphas_bar = jnp.asarray(np.sqrt(alphas_bar), dtype=jnp.float32)
    sqrt_one_minus_alphas_bar = jnp.asarray(np.sqrt(1.0 - alphas_bar), dtype=jnp.float32)
    return {
        "x0": x0,
        "t": t,
        "noise": noise,
        "sqrt_alphas_bar": sqrt_alphas_bar,
        "sqrt_one_minus_alphas_bar": sqrt_one_minus_alphas_bar,
    }

def reference(x0, t, noise, sqrt_alphas_bar, sqrt_one_minus_alphas_bar):
    # _extract: gather schedule values at timesteps t and broadcast to x0.shape
    bshape = (x0.shape[0],) + (1,) * (x0.ndim - 1)
    sqrt_ab = jnp.take(sqrt_alphas_bar, t, axis=0).reshape(bshape)
    sqrt_1mab = jnp.take(sqrt_one_minus_alphas_bar, t, axis=0).reshape(bshape)
    # q_sample: sqrt(abar_t) * x0 + sqrt(1 - abar_t) * noise
    return sqrt_ab * x0 + sqrt_1mab * noise

if __name__ == "__main__":
    import jax
    _d = setup_inputs()
    print(jax.jit(kernel)(*tuple(_d.values())))

</pallas_src>

<mosaic_0001>
#map = affine_map<(d0) -> (0)>
module attributes {stable_mosaic.version = 14 : i64} {
  func.func @gather_kernel(%arg0: i32, %arg1: memref<256xi32, #tpu.memory_space<hbm>>, %arg2: memref<1000xf32, #tpu.memory_space<hbm>>, %arg3: memref<1000xf32, #tpu.memory_space<hbm>>, %arg4: memref<256xf32, #tpu.memory_space<hbm>>, %arg5: memref<256xf32, #tpu.memory_space<hbm>>, %arg6: memref<256xi32, #tpu.memory_space<smem>>, %arg7: memref<1000xf32, #tpu.memory_space<smem>>, %arg8: memref<256xf32, #tpu.memory_space<smem>>, %arg9: memref<!tpu.dma_semaphore, #tpu.memory_space<semaphore_mem>>, %arg10: memref<!tpu.dma_semaphore, #tpu.memory_space<semaphore_mem>>) attributes {dimension_semantics = [#tpu.dimension_semantics<core_parallel>], iteration_bounds = array<i64: 2>, scalar_prefetch = 0 : i64, scratch_operands = 5 : i64, tpu.core_type = #tpu.core_type<sc_scalar_subcore>, window_params = [{transform_indices = #map}, {transform_indices = #map}, {transform_indices = #map}, {transform_indices = #map}, {transform_indices = #map}]} {
    tpu.enqueue_dma source(%arg1 : memref<256xi32, #tpu.memory_space<hbm>>) target(%arg6 : memref<256xi32, #tpu.memory_space<smem>>) target_semaphore(%arg9 : memref<!tpu.dma_semaphore, #tpu.memory_space<semaphore_mem>>)
    %eq3A = arith.constant 0 : i32
    %eq3A_0 = arith.cmpi eq, %arg0, %eq3A : i32
    %convert_element_type3A = arith.extui %eq3A_0 : i1 to i32
    %cond3A = arith.constant 0 : i32
    %cond3A_1 = arith.cmpi ne, %convert_element_type3A, %cond3A : i32
    scf.if %cond3A_1 {
      tpu.enqueue_dma source(%arg2 : memref<1000xf32, #tpu.memory_space<hbm>>) target(%arg7 : memref<1000xf32, #tpu.memory_space<smem>>) target_semaphore(%arg10 : memref<!tpu.dma_semaphore, #tpu.memory_space<semaphore_mem>>)
      tpu.wait_dma2 semaphore(%arg10 : memref<!tpu.dma_semaphore, #tpu.memory_space<semaphore_mem>>) src(%arg2 : memref<1000xf32, #tpu.memory_space<hbm>>) dst(%arg7 : memref<1000xf32, #tpu.memory_space<smem>>)
    } else {
    }
    %eq3A_2 = arith.constant 1 : i32
    %eq3A_3 = arith.cmpi eq, %arg0, %eq3A_2 : i32
    %convert_element_type3A_4 = arith.extui %eq3A_3 : i1 to i32
    %cond3A_5 = arith.constant 0 : i32
    %cond3A_6 = arith.cmpi ne, %convert_element_type3A_4, %cond3A_5 : i32
    scf.if %cond3A_6 {
      tpu.enqueue_dma source(%arg3 : memref<1000xf32, #tpu.memory_space<hbm>>) target(%arg7 : memref<1000xf32, #tpu.memory_space<smem>>) target_semaphore(%arg10 : memref<!tpu.dma_semaphore, #tpu.memory_space<semaphore_mem>>)
      tpu.wait_dma2 semaphore(%arg10 : memref<!tpu.dma_semaphore, #tpu.memory_space<semaphore_mem>>) src(%arg3 : memref<1000xf32, #tpu.memory_space<hbm>>) dst(%arg7 : memref<1000xf32, #tpu.memory_space<smem>>)
    } else {
    }
    tpu.wait_dma2 semaphore(%arg9 : memref<!tpu.dma_semaphore, #tpu.memory_space<semaphore_mem>>) src(%arg1 : memref<256xi32, #tpu.memory_space<hbm>>) dst(%arg6 : memref<256xi32, #tpu.memory_space<smem>>)
    %scan3A = arith.constant 0 : i32
    %scan3A_7 = arith.constant 256 : i32
    %scan3A_8 = arith.addi %scan3A, %scan3A_7 : i32
    %scan3A_9 = arith.constant 1 : i32
    scf.for %scan3A_21 = %scan3A to %scan3A_8 step %scan3A_9  : i32 {
      %mul3A = arith.constant 1 : i32
      %mul3A_22 = arith.muli %scan3A_21, %mul3A : i32
      %add3A = arith.constant 0 : i32
      %add3A_23 = arith.addi %add3A, %mul3A_22 : i32
      %get3A = arith.index_cast %add3A_23 : i32 to index
      %get3A_24 = memref.load %arg6[%get3A] : memref<256xi32, #tpu.memory_space<smem>>
      %get3A_25 = arith.index_cast %get3A_24 : i32 to index
      %get3A_26 = memref.load %arg7[%get3A_25] : memref<1000xf32, #tpu.memory_space<smem>>
      %swap3A = arith.index_cast %add3A_23 : i32 to index
      %swap3A_27 = memref.load %arg8[%swap3A] : memref<256xf32, #tpu.memory_space<smem>>
      memref.store %get3A_26, %arg8[%swap3A] : memref<256xf32, #tpu.memory_space<smem>>
    }
    %scan3A_10 = arith.constant 256 : i32
    %eq3A_11 = arith.constant 0 : i32
    %eq3A_12 = arith.cmpi eq, %arg0, %eq3A_11 : i32
    %convert_element_type3A_13 = arith.extui %eq3A_12 : i1 to i32
    %cond3A_14 = arith.constant 0 : i32
    %cond3A_15 = arith.cmpi ne, %convert_element_type3A_13, %cond3A_14 : i32
    scf.if %cond3A_15 {
      tpu.enqueue_dma source(%arg8 : memref<256xf32, #tpu.memory_space<smem>>) target(%arg4 : memref<256xf32, #tpu.memory_space<hbm>>) target_semaphore(%arg10 : memref<!tpu.dma_semaphore, #tpu.memory_space<semaphore_mem>>)
      tpu.wait_dma2 semaphore(%arg10 : memref<!tpu.dma_semaphore, #tpu.memory_space<semaphore_mem>>) src(%arg8 : memref<256xf32, #tpu.memory_space<smem>>) dst(%arg4 : memref<256xf32, #tpu.memory_space<hbm>>)
    } else {
    }
    %eq3A_16 = arith.constant 1 : i32
    %eq3A_17 = arith.cmpi eq, %arg0, %eq3A_16 : i32
    %convert_element_type3A_18 = arith.extui %eq3A_17 : i1 to i32
    %cond3A_19 = arith.constant 0 : i32
    %cond3A_20 = arith.cmpi ne, %convert_element_type3A_18, %cond3A_19 : i32
    scf.if %cond3A_20 {
      tpu.enqueue_dma source(%arg8 : memref<256xf32, #tpu.memory_space<smem>>) target(%arg5 : memref<256xf32, #tpu.memory_space<hbm>>) target_semaphore(%arg10 : memref<!tpu.dma_semaphore, #tpu.memory_space<semaphore_mem>>)
      tpu.wait_dma2 semaphore(%arg10 : memref<!tpu.dma_semaphore, #tpu.memory_space<semaphore_mem>>) src(%arg8 : memref<256xf32, #tpu.memory_space<smem>>) dst(%arg5 : memref<256xf32, #tpu.memory_space<hbm>>)
    } else {
    }
    return
  }
}

module attributes {stable_mosaic.version = 14 : i64} {
  func.func @_combine_body(%arg0: i32, %arg1: memref<256xf32, #tpu.memory_space<vmem>>, %arg2: memref<256xf32, #tpu.memory_space<vmem>>, %arg3: memref<4x16x64x256xf32, #tpu.memory_space<vmem>>, %arg4: memref<4x16x64x256xf32, #tpu.memory_space<vmem>>, %arg5: memref<4x16x64x256xf32, #tpu.memory_space<vmem>>) attributes {dimension_semantics = [#tpu.dimension_semantics<arbitrary>], iteration_bounds = array<i64: 4>, scalar_prefetch = 0 : i64, scratch_operands = 0 : i64, tpu.core_type = #tpu.core_type<tc>, window_params = [{pipeline_mode = #tpu.pipeline_mode<synchronous>, transform_indices = @transform_0, window_bounds = array<i64: 256>}, {pipeline_mode = #tpu.pipeline_mode<synchronous>, transform_indices = @transform_1, window_bounds = array<i64: 256>}, {transform_indices = @transform_2, window_bounds = array<i64: 4, 16, 64, 256>}, {transform_indices = @transform_3, window_bounds = array<i64: 4, 16, 64, 256>}, {transform_indices = @transform_4, window_bounds = array<i64: 4, 16, 64, 256>}]} {
    %get3A = arith.constant 0 : index
    %get3A_0 = vector.load %arg1[%get3A] : memref<256xf32, #tpu.memory_space<vmem>>, vector<256xf32>
    %get3A_1 = arith.constant 0 : index
    %get3A_2 = arith.constant 0 : index
    %get3A_3 = arith.constant 0 : index
    %get3A_4 = arith.constant 0 : index
    %get3A_5 = vector.load %arg3[%get3A_1, %get3A_2, %get3A_3, %get3A_4] : memref<4x16x64x256xf32, #tpu.memory_space<vmem>>, vector<4x16x64x256xf32>
    %broadcast_in_dim3A = vector.shape_cast %get3A_0 : vector<256xf32> to vector<1x1x1x256xf32>
    %mul3A = vector.broadcast %broadcast_in_dim3A : vector<1x1x1x256xf32> to vector<4x16x64x256xf32>
    %mul3A_6 = arith.mulf %mul3A, %get3A_5 : vector<4x16x64x256xf32>
    %get3A_7 = arith.constant 0 : index
    %get3A_8 = vector.load %arg2[%get3A_7] : memref<256xf32, #tpu.memory_space<vmem>>, vector<256xf32>
    %get3A_9 = arith.constant 0 : index
    %get3A_10 = arith.constant 0 : index
    %get3A_11 = arith.constant 0 : index
    %get3A_12 = arith.constant 0 : index
    %get3A_13 = vector.load %arg4[%get3A_9, %get3A_10, %get3A_11, %get3A_12] : memref<4x16x64x256xf32, #tpu.memory_space<vmem>>, vector<4x16x64x256xf32>
    %broadcast_in_dim3A_14 = vector.shape_cast %get3A_8 : vector<256xf32> to vector<1x1x1x256xf32>
    %mul3A_15 = vector.broadcast %broadcast_in_dim3A_14 : vector<1x1x1x256xf32> to vector<4x16x64x256xf32>
    %mul3A_16 = arith.mulf %mul3A_15, %get3A_13 : vector<4x16x64x256xf32>
    %add3A = arith.addf %mul3A_6, %mul3A_16 : vector<4x16x64x256xf32>
    %swap3A = arith.constant 0 : index
    %swap3A_17 = arith.constant 0 : index
    %swap3A_18 = arith.constant 0 : index
    %swap3A_19 = arith.constant 0 : index
    %swap3A_20 = vector.load %arg5[%swap3A, %swap3A_17, %swap3A_18, %swap3A_19] : memref<4x16x64x256xf32, #tpu.memory_space<vmem>>, vector<4x16x64x256xf32>
    tpu.vector_store %arg5[%swap3A, %swap3A_17, %swap3A_18, %swap3A_19], %add3A {strides = array<i32>} : memref<4x16x64x256xf32, #tpu.memory_space<vmem>>, vector<4x16x64x256xf32>,
    return
  }
  func.func @transform_0(%arg0: i32) -> i32 {
    %c0_i32 = arith.constant 0 : i32
    %c0_i32_0 = arith.constant 0 : i32
    return %c0_i32 : i32
  }
  func.func @transform_1(%arg0: i32) -> i32 {
    %c0_i32 = arith.constant 0 : i32
    %c0_i32_0 = arith.constant 0 : i32
    return %c0_i32 : i32
  }
  func.func @transform_2(%arg0: i32) -> (i32, i32, i32, i32) {
    %c0_i32 = arith.constant 0 : i32
    %c0_i32_0 = arith.constant 0 : i32
    %c0_i32_1 = arith.constant 0 : i32
    %c0_i32_2 = arith.constant 0 : i32
    return %c0_i32, %arg0, %c0_i32_0, %c0_i32_1 : i32, i32, i32, i32
  }
  func.func @transform_3(%arg0: i32) -> (i32, i32, i32, i32) {
    %c0_i32 = arith.constant 0 : i32
    %c0_i32_0 = arith.constant 0 : i32
    %c0_i32_1 = arith.constant 0 : i32
    %c0_i32_2 = arith.constant 0 : i32
    return %c0_i32, %arg0, %c0_i32_0, %c0_i32_1 : i32, i32, i32, i32
  }
  func.func @transform_4(%arg0: i32) -> (i32, i32, i32, i32) {
    %c0_i32 = arith.constant 0 : i32
    %c0_i32_0 = arith.constant 0 : i32
    %c0_i32_1 = arith.constant 0 : i32
    %c0_i32_2 = arith.constant 0 : i32
    return %c0_i32, %arg0, %c0_i32_0, %c0_i32_1 : i32, i32, i32, i32
  }
}

</mosaic_0001>

<sc_bundles>
// kernel: kernel.4.cloned.1.call-start
scs
__scs_entry_jumppad:
0x0: {  	(pc) =	sbr.rel $0x88, $3  }
0x1: {  	(tag) =	ssettag $0x0;
	lr =	simm.s32 $0x1  }
0x2: {  	[smem:$0x3F9C] =	sst lr;
	_ =	strace $0xD0000000  }
0x3: {  	_ = 	snop  }
0x4: {  	_ = 	snop  }
0x5: {  	_ = 	snop  }
0x6: {  	_ = 	snop  }
0x7: {  	_ = 	snop  }
__scs_overlays_trampoline_lowered:
0x8: {  	[smem:$0x3FAB] =	sst s0  }
0x9: {  	[smem:$0x3FAC] =	sst s1  }
0xa: {  	[smem:$0x3FAD] =	sst s2  }
0xb: {  	[smem:$0x3FAE] =	sst s3  }
0xc: {  	[smem:$0x3FAF] =	sst s4  }
0xd: {  	[smem:$0x3FB0] =	sst s5  }
0xe: {  	[smem:$0x3FB1] =	sst s6  }
0xf: {  	[smem:$0x3FB2] =	sst s7  }
0x10: {  	[smem:$0x3FB3] =	sst s8  }
0x11: {  	[smem:$0x3FB4] =	sst s9;
	s0 =	simm.s32 @!p0 $0x0  }
0x12: {  	s1 =	sld [smem:$0x3F9A];
	s0 =	simm.s32 @p0 $0x1  }
0x13: {  	[smem:$0x3FB5] =	sst s0;
	s0 =	simm.s32 @!p1 $0x0  }
0x14: {  	s2 =	sld [smem:$0x3F99];
	s0 =	simm.s32 @p1 $0x1  }
0x15: {  	[smem:$0x3FB6] =	sst s0;
	s0 =	simm.s32 @!p2 $0x0  }
0x16: {  	s3 =	sld [smem:$0x3FDB];
	s0 =	simm.s32 @p2 $0x1  }
0x17: {  	s4 =	simm.s32 $0x1BF5;
	[smem:$0x3FB8] =	sst s0  }
0x18: {  	s0 =	sld [smem:$0x3F9B];
	_ =	swait.ge [sflag:s4], $0x0  }
0x19: {  	s7 =	sld [smem:$0x3F9C]  }
0x1a: {  	s8 =	sadd.s32 $0xFFFFE003, lr  }
0x1b: {  	s9 =	sadd.s32 $0xFFFFFEF7, lr;
	s5 =	simm.s32 $0xFFFFFFFF;
	p2 =	slt.u32 s8, $0xFFFFF086  }
0x1c: {  	p1 =	slt.u32 s9, $0xF7A;
	s5 =	simm.s32 @!p2 $0x0  }
0x1d: {  	s5 =	simm.s32 @p1 $0x1;
	p0 =	seq.s32 s7, s2  }
0x1e: {  	s7 =	smul.u32 @!p0 $0xF7A, s2;
	p2 =	seq.s32 @!p0 s5, $0x0  }
0x1f: {  	s9 =	smul.u32 $0xF7A, s1;
	s8 =	simm.s32 @!p0 $0x1BF5;
	p2 =	por !p2, p0  }
0x20: {  	[sflag:s8] =	ssyncset.s32 @!p0 $0xFFFFF086;
	s6 =	sadd.s32 @!p0 s3, s7;
	s7 =	simm.s32 @!p0 $0x108  }
0x21: {  	s3 =	sadd.s32 s3, s9;
	s6 =	sadd.s32 @!p0 $0x88, s6;
	s7 =	simm.s32 @p2 $0x1082  }
0x22: {  	[simem:s7], [sflag:s8] =	dma.local @!p0 [hbm:s6], $0xF7A  }
0x23: {  	s9 =	sor.u32 $0xD0000000, s2;
	s6 =	simm.s32 $0x108;
	_ =	swait.ge @!p0 [sflag:s8], $0x0  }
0x24: {  	s3 =	sadd.s32 $0x88, s3;
	s6 =	simm.s32 @!p1 $0x1082;
	[sflag:s4] =	ssyncset.s32 $0xFFFFF086  }
0x25: {  	[simem:s6], [sflag:s4] =	dma.local [hbm:s3], $0xF7A  }
0x26: {  	[smem:$0x3F9C] =	sst s1;
	(tag) =	ssettag s2;
	_ =	strace s9  }
0x27: {  	s1 =	sld [smem:$0x3FAC]  }
0x28: {  	s2 =	sld [smem:$0x3FAD]  }
0x29: {  	s4 =	sld [smem:$0x3FAF]  }
0x2a: {  	p0 =	seq.s32 s5, $0x0;
	s5 =	sld [smem:$0x3FB0]  }
0x2b: {  	s6 =	sld [smem:$0x3FB1]  }
0x2c: {  	s7 =	sld [smem:$0x3FB2]  }
0x2d: {  	s3 =	simm.s32 $0x108;
	s8 =	sld [smem:$0x3FB3]  }
0x2e: {  	s3 =	simm.s32 @!p0 $0x1082;
	s9 =	sld [smem:$0x3FB4]  }
0x2f: {  	lr =	sadd.s32 s0, s3;
	s0 =	sld [smem:$0x3FAB]  }
0x30: {  	s3 =	sld [smem:$0x3FAE]  }
0x31: {  	[smem:$0x3FB7] =	sst s10  }
0x32: {  	s10 =	sld [smem:$0x3FB5];
	_ =	sdelay $0x3  }
0x33: {  	p0 =	seq.s32 s10, $0x1;
	s10 =	sld [smem:$0x3FB7];
	_ =	sdelay $0x3  }
0x34: {  	[smem:$0x3FB7] =	sst s10  }
0x35: {  	s10 =	sld [smem:$0x3FB6];
	_ =	sdelay $0x3  }
0x36: {  	p1 =	seq.s32 s10, $0x1;
	s10 =	sld [smem:$0x3FB7];
	_ =	sdelay $0x3  }
0x37: {  	[smem:$0x3FB7] =	sst s10  }
0x38: {  	s10 =	sld [smem:$0x3FB8]  }
0x39: {  	_ = 	snop;
	(pc) =	sbr.ind lr, $3  }
0x3a: {  	_ = 	snop  }
0x3b: {  	_ = 	snop  }
0x3c: {  	p2 =	seq.s32 s10, $0x1;
	s10 =	sld [smem:$0x3FB7]  }
0x3d: {  	_ =	shalt  }
0x3e: {  	_ =	shalt  }
0x3f: {  	_ =	shalt  }
0x40: {  	_ =	shalt  }
0x41: {  	_ =	shalt  }
0x42: {  	_ =	shalt  }
0x43: {  	_ =	shalt  }
0x44: {  	_ =	shalt  }
0x45: {  	_ =	shalt  }
0x46: {  	_ =	shalt  }
0x47: {  	_ =	shalt  }
0x48: {  	_ =	shalt  }
0x49: {  	_ =	shalt  }
0x4a: {  	_ =	shalt  }
0x4b: {  	_ =	shalt  }
0x4c: {  	_ =	shalt  }
0x4d: {  	_ =	shalt  }
0x4e: {  	_ =	shalt  }
0x4f: {  	_ =	shalt  }
0x50: {  	_ =	shalt  }
0x51: {  	_ =	shalt  }
0x52: {  	_ =	shalt  }
0x53: {  	_ =	shalt  }
0x54: {  	_ =	shalt  }
0x55: {  	_ =	shalt  }
0x56: {  	_ =	shalt  }
0x57: {  	_ =	shalt  }
0x58: {  	_ =	shalt  }
0x59: {  	_ =	shalt  }
0x5a: {  	_ =	shalt  }
0x5b: {  	_ =	shalt  }
0x5c: {  	_ =	shalt  }
0x5d: {  	_ =	shalt  }
0x5e: {  	_ =	shalt  }
0x5f: {  	_ =	shalt  }
0x60: {  	_ =	shalt  }
0x61: {  	_ =	shalt  }
0x62: {  	_ =	shalt  }
0x63: {  	_ =	shalt  }
0x64: {  	_ =	shalt  }
0x65: {  	_ =	shalt  }
0x66: {  	_ =	shalt  }
0x67: {  	_ =	shalt  }
0x68: {  	_ =	shalt  }
0x69: {  	_ =	shalt  }
0x6a: {  	_ =	shalt  }
0x6b: {  	_ =	shalt  }
0x6c: {  	_ =	shalt  }
0x6d: {  	_ =	shalt  }
0x6e: {  	_ =	shalt  }
0x6f: {  	_ =	shalt  }
0x70: {  	_ =	shalt  }
0x71: {  	_ =	shalt  }
0x72: {  	_ =	shalt  }
0x73: {  	_ =	shalt  }
0x74: {  	_ =	shalt  }
0x75: {  	_ =	shalt  }
0x76: {  	_ =	shalt  }
0x77: {  	_ =	shalt  }
0x78: {  	_ =	shalt  }
0x79: {  	_ =	shalt  }
0x7a: {  	_ =	shalt  }
0x7b: {  	_ =	shalt  }
0x7c: {  	_ =	shalt  }
0x7d: {  	_ =	shalt  }
0x7e: {  	_ =	shalt  }
0x7f: {  	_ =	shalt  }
0x80: {  	_ =	shalt  }
0x81: {  	_ =	shalt  }
0x82: {  	_ =	shalt  }
0x83: {  	_ =	shalt  }
0x84: {  	_ =	shalt  }
0x85: {  	_ =	shalt  }
0x86: {  	_ =	shalt  }
0x87: {  	_ =	shalt  }
.Lfunc_end0:
.L_simem_size_0:
called_computation_lowered:
.L_overlay_start_0:
0x88: {  	s2 =	sld [smem:$0x3FD9]  }
0x89: {  	s3 =	sld [smem:$0x3FFE];
	_ =	sdelay $0x1  }
0x8a: {  	s1 =	srdreg.scid  }
0x8b: {  	s0 =	sand.u32 $0x1, s1  }
0x8c: {  	s25 =	sshll.u32 s0, $0xA;
	s2 =	sadd.s32 s3, s2  }
0x8d: {  	s2 =	sadd.s32 s2, s25  }
0x8e: {  	[smem:$0x3FC3] =	sst s2  }
0x8f: {  	_ = 	snop  }
0x90: {  	s4 =	simm.s32 $0x3FC6;
	p0 =	seq.s32 s0, $0x0;
	s26 =	sld [smem:$0x3FC8]  }
0x91: {  	s4 =	simm.s32 @!p0 $0x3FC5;
	s2 =	sld [smem:$0x3FD0]  }
0x92: {  	s4 =	sld [smem:s4+$0x0];
	(tm) =	ssettm $0x1  }
0x93: {  	s5 =	sld [smem:$0x3FFB];
	_ =	sdelay $0x3  }
0x94: {  	_ =	strace s5  }
0x95: {  	s5 =	sld [smem:$0x3FFC];
	_ =	sdelay $0x3  }
0x96: {  	_ =	strace s5  }
0x97: {  	s5 =	sld [smem:$0x3FFD];
	_ =	sdelay $0x3  }
0x98: {  	_ =	strace s5  }
0x99: {  	s28 =	simm.s32 $0x1B8B;
	_ =	strace $0x8FFFFFFF  }
0x9a: {  	_ =	swait.ge [sflag:s28], $0x1  }
0x9b: {  	[sflag:s28] =	ssyncset.done $0x0  }
0x9c: {  	s6 =	simm.s32 $0x1B8E;
	s30 =	simm.s32 $0x9;
	[sflag:s28] =	ssyncadd.s32 $0xFFFFFFFF  }
0x9d: {  	s7 =	simm.s32 $0x10;
	s31 =	simm.s32 $0x110;
	[smem:$0x3FD2] =	sst s6  }
0x9e: {  	s3 =	simm.s32 $0xA;
	s29 =	sld [smem:$0x3FFE];
	_ =	strace $0x80000046  }
0x9f: {  	[smem:s7], [sflag:s30] =	dma.local [hbm:s26], $0x20  }
0xa0: {  	[smem:s31], [sflag:s3] =	dma.local [hbm:s4], $0x80  }
0xa1: {  	_ =	swait.ge [sflag:s3], $0x80  }
0xa2: {  	[sflag:s3] =	ssyncset.done $0x0  }
0xa3: {  	[sflag:s3] =	ssyncadd.s32 $0xFFFFFF80;
	_ =	sdelay $0x2  }
0xa4: {  	_ =	swait.ge [sflag:s30], $0x20  }
0xa5: {  	s5 =	simm.s32 $0x0;
	[sflag:s30] =	ssyncset.done $0x0  }
0xa6: {  	s6 =	simm.s32 $0x4;
	s4 =	sadd.s32 $0xE00, s29;
	[sflag:s30] =	ssyncadd.s32 $0xFFFFFFE0  }
.LBB1_1:
0xa7: {  	p1 =	sne.s32 s6, $0x3FC;
	s7 =	sld [smem:s5+$0x10];
	_ =	sdelay $0x3  }
0xa8: {  	s7 =	sld [smem:s7+$0x110]  }
.Ltmp0:
0xa9: {  	(pc) =	sbr.rel @p1 .LBB1_1-.Ltmp0, $3  }
0xaa: {  	_ = 	snop  }
0xab: {  	s8 =	sadd.s32 $0x510, s5  }
0xac: {  	s5 =	sshra.s32 s6, $0x2;
	s6 =	sadd.s32 $0x4, s6;
	[smem:s8] =	sst s7  }
0xad: {  	s6 =	sld [smem:s5+$0x10];
	_ =	sdelay $0x3  }
0xae: {  	s6 =	sld [smem:s6+$0x110];
	_ =	sdelay $0x2  }
0xaf: {  	s25 =	sadd.s32 $0x510, s5;
	s4 =	smov.u32 @p0 s2  }
0xb0: {  	s26 =	simm.s32 $0x510;
	s28 =	simm.s32 $0xA;
	[smem:s25] =	sst s6  }
0xb1: {  	[hbm:s4], [sflag:s3] =	dma.local [smem:s26], $0x20  }
0xb2: {  	_ =	swait.ge [sflag:s28], $0x20  }
0xb3: {  	[sflag:s28] =	ssyncset.done $0x0  }
0xb4: {  	[sflag:s28] =	ssyncadd.s32 $0xFFFFFFE0  }
0xb5: {  	_ =	strace $0x90000046  }
0xb6: {  	_ =	sfence  }
0xb7: {  	s29 =	sld [smem:$0x0];
	_ =	sdelay $0x2  }
0xb8: {  	s30 =	sshll.u32 s1, $0xD;
	s31 =	sshrl.u32 s1, $0x2  }
0xb9: {  	s3 =	sand.u32 $0x4000, s30;
	s1 =	sadd.s32 s31, s29  }
0xba: {  	s0 =	sor.u32 s3, s0;
	s1 =	sshll.u32 s1, $0x11  }
0xbb: {  	s0 =	sor.u32 s1, s0  }
0xbc: {  	s0 =	sadd.s32 $0x8F2B, s0;
	(pc) =	sbr.abs _section_cstart, $3  }
0xbd: {  	[sflag:s0] =	ssyncadd.remote.s32 $0x1  }
0xbe: {  	_ =	strace $0x9FFFFFFF  }
0xbf: {  	(tm) =	ssettm $0x7FFFFFFF  }

</sc_bundles>
